<compile_context>
chip_gen: v7x
topology: tpu7x:2x2x1
jax: 0.10.2.dev20260603
libtpu: 0.0.44.dev20260713+nightly
codegen_flags: <defaults>
</compile_context>

<pallas_src>
import jax
import jax.numpy as jnp
from jax import lax
from jax.experimental import pallas as pl
from jax.experimental.pallas import tpu as pltpu
from jax.experimental.pallas import tpu_sc as plsc

N_ATOMS = 2097152
N_TYPES = 100
N_SYSTEMS = 8192

NUM_CORES = 2
NUM_SUBCORES = 16
NW = NUM_CORES * NUM_SUBCORES
ATOMS_PER_W = N_ATOMS // NW
CHUNK = 8192
NCHUNKS = ATOMS_PER_W // CHUNK
VECS = CHUNK // 16
UNROLL = 8


def _sc_body(types_hbm, sys_hbm, w_hbm, part_hbm, wbuf, tbuf, sbuf, acc,
             sem_t, sem_s):
  wid = lax.axis_index("s") * NUM_CORES + lax.axis_index("c")
  base = wid * ATOMS_PER_W

  def chunk_refs(c):
    off = (c % 2) * CHUNK
    cbase = base + c * CHUNK
    slot = c % 2
    return (
        (types_hbm.at[pl.ds(cbase, CHUNK)], tbuf.at[pl.ds(off, CHUNK)],
         sem_t.at[slot]),
        (sys_hbm.at[pl.ds(cbase, CHUNK)], sbuf.at[pl.ds(off, CHUNK)],
         sem_s.at[slot]),
    )

  def start_chunk(c):
    for src, dst, sem in chunk_refs(c):
      pltpu.async_copy(src, dst, sem)

  start_chunk(0)
  start_chunk(1)
  pltpu.sync_copy(w_hbm, wbuf)

  @plsc.parallel_loop(0, N_SYSTEMS // 16, 1, unroll=8)
  def zero_body(i):
    acc[pl.ds(i * 16, 16)] = jnp.zeros((16,), jnp.float32)

  def chunk_body(c, carry):
    for src, dst, sem in chunk_refs(c):
      pltpu.make_async_copy(src, dst, sem).wait()
    off = (c % 2) * CHUNK

    @plsc.parallel_loop(0, VECS, 1, unroll=UNROLL)
    def vec_body(k):
      s = sbuf[pl.ds(off + k * 16, 16)]
      cnt, run_end = plsc.scan_count(s)
      run_start = cnt == 1
      t = tbuf[pl.ds(off + k * 16, 16)]
      vw = plsc.load_gather(wbuf, [t])
      cs = plsc.cumsum(vw)
      plsc.addupdate_scatter(acc, [s], cs, mask=run_end)
      plsc.addupdate_scatter(acc, [s], vw - cs, mask=run_start)

    @pl.when(c + 2 < NCHUNKS)
    def _():
      start_chunk(c + 2)

    return carry

  lax.fori_loop(0, NCHUNKS, chunk_body, 0)
  pltpu.sync_copy(acc, part_hbm.at[wid])


def _merge_body(p_ref, o_ref):
  o_ref[...] = jnp.sum(p_ref[...], axis=0, keepdims=True)


@jax.jit
def kernel(types, system_ids, weights):
  sc_fn = pl.kernel(
      _sc_body,
      out_type=jax.ShapeDtypeStruct((NW, N_SYSTEMS), jnp.float32),
      mesh=plsc.VectorSubcoreMesh(core_axis_name="c", subcore_axis_name="s"),
      compiler_params=pltpu.CompilerParams(needs_layout_passes=False),
      scratch_types=[
          pltpu.VMEM((N_TYPES,), jnp.float32),
          pltpu.VMEM((2 * CHUNK,), jnp.int32),
          pltpu.VMEM((2 * CHUNK,), jnp.int32),
          pltpu.VMEM((N_SYSTEMS,), jnp.float32),
          pltpu.SemaphoreType.DMA((2,)),
          pltpu.SemaphoreType.DMA((2,)),
      ],
  )
  partials = sc_fn(types, system_ids, weights)

  merged = pl.pallas_call(
      _merge_body,
      out_shape=jax.ShapeDtypeStruct((1, N_SYSTEMS), jnp.float32),
  )(partials)
  return merged.reshape(N_SYSTEMS, 1)

# --- scband reference (transcript-rebuilt; emitter-appended) ---
"""Pipeline reference for scband-composition-model-51135880626757 (READ-ONLY COPY).

The authoritative reference and input builder live on the scoring server;
editing this copy changes nothing except your own understanding.
"""

import jax, jax.numpy as jnp
import numpy as np

N_ATOMS = 2097152
N_TYPES = 100
N_SYSTEMS = 8192

def setup_inputs(seed: int = 0) -> dict:
    key = jax.random.key(seed)
    k1, k2, k3 = jax.random.split(key, 3)
    types = jax.random.randint(k1, (N_ATOMS,), 0, N_TYPES, dtype=jnp.int32)
    system_ids = jnp.sort(jax.random.randint(k2, (N_ATOMS,), 0, N_SYSTEMS, dtype=jnp.int32))
    weights = jax.random.normal(k3, (N_TYPES,), dtype=jnp.float32)
    return {"types": types, "system_ids": system_ids, "weights": weights}

def reference(types, system_ids, weights):
    # CompositionModel.forward: per-atom energy = composition weight of its atomic type
    # (the original per-type masked assignment 'targets_single[atomic_type == system.types] = weights[i_type]'
    #  is exactly a gather: weights[types])
    per_atom = jnp.take(weights, types, axis=0)  # [N_ATOMS]
    # sum_over_samples_block over 'atom': reduce per-atom energies into per-system energies
    per_system = jax.ops.segment_sum(per_atom, system_ids, num_segments=N_SYSTEMS)  # [N_SYSTEMS]
    # TensorBlock values are [n_samples, 1]
    return per_system.reshape(-1, 1)

if __name__ == "__main__":
    import jax
    _d = setup_inputs()
    print(jax.jit(kernel)(*tuple(_d.values())))

</pallas_src>

<mosaic_0001>
#map = affine_map<(d0, d1) -> (0)>
#map1 = affine_map<(d0, d1) -> (0, 0)>
module attributes {stable_mosaic.version = 14 : i64} {
  func.func @_sc_body(%arg0: i32, %arg1: i32, %arg2: memref<2097152xi32, #tpu.memory_space<hbm>>, %arg3: memref<2097152xi32, #tpu.memory_space<hbm>>, %arg4: memref<100xf32, #tpu.memory_space<hbm>>, %arg5: memref<32x8192xf32, #tpu.memory_space<hbm>>, %arg6: memref<100xf32, #tpu.memory_space<vmem>>, %arg7: memref<16384xi32, #tpu.memory_space<vmem>>, %arg8: memref<16384xi32, #tpu.memory_space<vmem>>, %arg9: memref<8192xf32, #tpu.memory_space<vmem>>, %arg10: memref<2x!tpu.dma_semaphore, #tpu.memory_space<semaphore_mem>>, %arg11: memref<2x!tpu.dma_semaphore, #tpu.memory_space<semaphore_mem>>) attributes {dimension_semantics = [#tpu.dimension_semantics<core_parallel>, #tpu.dimension_semantics<subcore_parallel>], iteration_bounds = array<i64: 2, 16>, scalar_prefetch = 0 : i64, scratch_operands = 6 : i64, tpu.core_type = #tpu.core_type<sc_vector_subcore>, window_params = [{transform_indices = #map}, {transform_indices = #map}, {transform_indices = #map}, {transform_indices = #map1}]} {
    %mul3A = arith.constant 2 : i32
    %mul3A_0 = arith.muli %arg1, %mul3A : i32
    %add3A = arith.addi %mul3A_0, %arg0 : i32
    %mul3A_1 = arith.constant 65536 : i32
    %mul3A_2 = arith.muli %add3A, %mul3A_1 : i32
    %add3A_3 = arith.constant 0 : i32
    %add3A_4 = arith.addi %mul3A_2, %add3A_3 : i32
    %dma_start3A = arith.constant 0 : i32
    %dma_start3A_5 = arith.constant 0 : i32
    %dma_start3A_6 = tpu.memref_slice %arg7[%dma_start3A_5] : memref<16384xi32, #tpu.memory_space<vmem>> -> memref<8192xi32, #tpu.memory_space<vmem>>
    %dma_start3A_7 = tpu.memref_slice %arg2[%add3A_4] : memref<2097152xi32, #tpu.memory_space<hbm>> -> memref<8192xi32, #tpu.memory_space<hbm>>
    %dma_start3A_8 = tpu.memref_slice %arg10[%dma_start3A] : memref<2x!tpu.dma_semaphore, #tpu.memory_space<semaphore_mem>> -> memref<1x!tpu.dma_semaphore, #tpu.memory_space<semaphore_mem>>
    %dma_start3A_9 = tpu.memref_squeeze %dma_start3A_8 : memref<1x!tpu.dma_semaphore, #tpu.memory_space<semaphore_mem>> -> memref<!tpu.dma_semaphore, #tpu.memory_space<semaphore_mem>>
    %dma_start3A_10 = arith.constant 0 : i32
    %dma_start3A_11 = tpu.memref_slice %arg7[%dma_start3A_10] : memref<16384xi32, #tpu.memory_space<vmem>> -> memref<8192xi32, #tpu.memory_space<vmem>>
    %dma_start3A_12 = tpu.memref_slice %arg2[%add3A_4] : memref<2097152xi32, #tpu.memory_space<hbm>> -> memref<8192xi32, #tpu.memory_space<hbm>>
    tpu.enqueue_dma source(%dma_start3A_12 : memref<8192xi32, #tpu.memory_space<hbm>>) target(%dma_start3A_11 : memref<8192xi32, #tpu.memory_space<vmem>>) target_semaphore(%dma_start3A_9 : memref<!tpu.dma_semaphore, #tpu.memory_space<semaphore_mem>>)
    %dma_start3A_13 = arith.constant 0 : i32
    %dma_start3A_14 = arith.constant 0 : i32
    %dma_start3A_15 = tpu.memref_slice %arg8[%dma_start3A_14] : memref<16384xi32, #tpu.memory_space<vmem>> -> memref<8192xi32, #tpu.memory_space<vmem>>
    %dma_start3A_16 = tpu.memref_slice %arg3[%add3A_4] : memref<2097152xi32, #tpu.memory_space<hbm>> -> memref<8192xi32, #tpu.memory_space<hbm>>
    %dma_start3A_17 = tpu.memref_slice %arg11[%dma_start3A_13] : memref<2x!tpu.dma_semaphore, #tpu.memory_space<semaphore_mem>> -> memref<1x!tpu.dma_semaphore, #tpu.memory_space<semaphore_mem>>
    %dma_start3A_18 = tpu.memref_squeeze %dma_start3A_17 : memref<1x!tpu.dma_semaphore, #tpu.memory_space<semaphore_mem>> -> memref<!tpu.dma_semaphore, #tpu.memory_space<semaphore_mem>>
    %dma_start3A_19 = arith.constant 0 : i32
    %dma_start3A_20 = tpu.memref_slice %arg8[%dma_start3A_19] : memref<16384xi32, #tpu.memory_space<vmem>> -> memref<8192xi32, #tpu.memory_space<vmem>>
    %dma_start3A_21 = tpu.memref_slice %arg3[%add3A_4] : memref<2097152xi32, #tpu.memory_space<hbm>> -> memref<8192xi32, #tpu.memory_space<hbm>>
    tpu.enqueue_dma source(%dma_start3A_21 : memref<8192xi32, #tpu.memory_space<hbm>>) target(%dma_start3A_20 : memref<8192xi32, #tpu.memory_space<vmem>>) target_semaphore(%dma_start3A_18 : memref<!tpu.dma_semaphore, #tpu.memory_space<semaphore_mem>>)
    %add3A_22 = arith.constant 8192 : i32
    %add3A_23 = arith.addi %mul3A_2, %add3A_22 : i32
    %dma_start3A_24 = arith.constant 1 : i32
    %dma_start3A_25 = arith.constant 8192 : i32
    %dma_start3A_26 = tpu.memref_slice %arg7[%dma_start3A_25] : memref<16384xi32, #tpu.memory_space<vmem>> -> memref<8192xi32, #tpu.memory_space<vmem>>
    %dma_start3A_27 = tpu.memref_slice %arg2[%add3A_23] : memref<2097152xi32, #tpu.memory_space<hbm>> -> memref<8192xi32, #tpu.memory_space<hbm>>
    %dma_start3A_28 = tpu.memref_slice %arg10[%dma_start3A_24] : memref<2x!tpu.dma_semaphore, #tpu.memory_space<semaphore_mem>> -> memref<1x!tpu.dma_semaphore, #tpu.memory_space<semaphore_mem>>
    %dma_start3A_29 = tpu.memref_squeeze %dma_start3A_28 : memref<1x!tpu.dma_semaphore, #tpu.memory_space<semaphore_mem>> -> memref<!tpu.dma_semaphore, #tpu.memory_space<semaphore_mem>>
    %dma_start3A_30 = arith.constant 8192 : i32
    %dma_start3A_31 = tpu.memref_slice %arg7[%dma_start3A_30] : memref<16384xi32, #tpu.memory_space<vmem>> -> memref<8192xi32, #tpu.memory_space<vmem>>
    %dma_start3A_32 = tpu.memref_slice %arg2[%add3A_23] : memref<2097152xi32, #tpu.memory_space<hbm>> -> memref<8192xi32, #tpu.memory_space<hbm>>
    tpu.enqueue_dma source(%dma_start3A_32 : memref<8192xi32, #tpu.memory_space<hbm>>) target(%dma_start3A_31 : memref<8192xi32, #tpu.memory_space<vmem>>) target_semaphore(%dma_start3A_29 : memref<!tpu.dma_semaphore, #tpu.memory_space<semaphore_mem>>)
    %dma_start3A_33 = arith.constant 1 : i32
    %dma_start3A_34 = arith.constant 8192 : i32
    %dma_start3A_35 = tpu.memref_slice %arg8[%dma_start3A_34] : memref<16384xi32, #tpu.memory_space<vmem>> -> memref<8192xi32, #tpu.memory_space<vmem>>
    %dma_start3A_36 = tpu.memref_slice %arg3[%add3A_23] : memref<2097152xi32, #tpu.memory_space<hbm>> -> memref<8192xi32, #tpu.memory_space<hbm>>
    %dma_start3A_37 = tpu.memref_slice %arg11[%dma_start3A_33] : memref<2x!tpu.dma_semaphore, #tpu.memory_space<semaphore_mem>> -> memref<1x!tpu.dma_semaphore, #tpu.memory_space<semaphore_mem>>
    %dma_start3A_38 = tpu.memref_squeeze %dma_start3A_37 : memref<1x!tpu.dma_semaphore, #tpu.memory_space<semaphore_mem>> -> memref<!tpu.dma_semaphore, #tpu.memory_space<semaphore_mem>>
    %dma_start3A_39 = arith.constant 8192 : i32
    %dma_start3A_40 = tpu.memref_slice %arg8[%dma_start3A_39] : memref<16384xi32, #tpu.memory_space<vmem>> -> memref<8192xi32, #tpu.memory_space<vmem>>
    %dma_start3A_41 = tpu.memref_slice %arg3[%add3A_23] : memref<2097152xi32, #tpu.memory_space<hbm>> -> memref<8192xi32, #tpu.memory_space<hbm>>
    tpu.enqueue_dma source(%dma_start3A_41 : memref<8192xi32, #tpu.memory_space<hbm>>) target(%dma_start3A_40 : memref<8192xi32, #tpu.memory_space<vmem>>) target_semaphore(%dma_start3A_38 : memref<!tpu.dma_semaphore, #tpu.memory_space<semaphore_mem>>)
    "tpu.region"() ({
      %run_scoped3A = tpu.sem_alloc : memref<!tpu.dma_semaphore, #tpu.memory_space<semaphore_mem>>
      tpu.enqueue_dma source(%arg4 : memref<100xf32, #tpu.memory_space<hbm>>) target(%arg6 : memref<100xf32, #tpu.memory_space<vmem>>) target_semaphore(%run_scoped3A : memref<!tpu.dma_semaphore, #tpu.memory_space<semaphore_mem>>)
      tpu.wait_dma2 semaphore(%run_scoped3A : memref<!tpu.dma_semaphore, #tpu.memory_space<semaphore_mem>>) src(%arg4 : memref<100xf32, #tpu.memory_space<hbm>>) dst(%arg6 : memref<100xf32, #tpu.memory_space<vmem>>)
      tpu.yield
    }) : () -> ()
    %parallel_loop3A = arith.constant 0 : i32
    %parallel_loop3A_42 = arith.constant 512 : i32
    %parallel_loop3A_43 = arith.constant 1 : i32
    scf.for %parallel_loop3A_49 = %parallel_loop3A to %parallel_loop3A_42 step %parallel_loop3A_43  : i32 {
      %parallel_loop3A_50 = arith.constant 0.000000e+00 : f32
      %parallel_loop3A_51 = vector.broadcast %parallel_loop3A_50 : f32 to vector<16xf32>
      %parallel_loop3A_52 = arith.constant 16 : i32
      %parallel_loop3A_53 = arith.muli %parallel_loop3A_49, %parallel_loop3A_52 : i32
      %parallel_loop3A_54 = arith.index_cast %parallel_loop3A_53 : i32 to index
      %parallel_loop3A_55 = tpu.vector_load %arg9[%parallel_loop3A_54] {strides = array<i32>} : memref<8192xf32, #tpu.memory_space<vmem>>, vector<16xf32>,
      tpu.vector_store %arg9[%parallel_loop3A_54], %parallel_loop3A_51 {strides = array<i32>} : memref<8192xf32, #tpu.memory_space<vmem>>, vector<16xf32>,
    } {sc.loop_unroll_factor = 8 : i64, sc.parallel_access}
    %scan3A = arith.constant 0 : i32
    %scan3A_44 = arith.constant 0 : i32
    %scan3A_45 = arith.constant 8 : i32
    %scan3A_46 = arith.addi %scan3A_44, %scan3A_45 : i32
    %scan3A_47 = arith.constant 1 : i32
    scf.for %scan3A_49 = %scan3A_44 to %scan3A_46 step %scan3A_47  : i32 {
      %jit3A = arith.constant 2 : i32
      %eq3A = arith.constant 0 : i32
      %eq3A_50 = arith.cmpi eq, %jit3A, %eq3A : i32
      %jit3A_51 = arith.constant 1 : i32
      %select_n3A = arith.select %eq3A_50, %jit3A_51, %jit3A : i32
      %rem3A = arith.remsi %scan3A_49, %select_n3A : i32
      %ne3A = arith.constant 0 : i32
      %ne3A_52 = arith.cmpi ne, %rem3A, %ne3A : i32
      %lt3A = arith.constant 0 : i32
      %lt3A_53 = arith.cmpi slt, %rem3A, %lt3A : i32
      %lt3A_54 = arith.constant 0 : i32
      %lt3A_55 = arith.cmpi slt, %select_n3A, %lt3A_54 : i32
      %ne3A_56 = arith.xori %lt3A_53, %lt3A_55 : i1
      %and3A = arith.andi %ne3A_56, %ne3A_52 : i1
      %add3A_57 = arith.addi %rem3A, %select_n3A : i32
      %select_n3A_58 = arith.select %and3A, %add3A_57, %rem3A : i32
      %mul3A_59 = arith.constant 8192 : i32
      %mul3A_60 = arith.muli %select_n3A_58, %mul3A_59 : i32
      %mul3A_61 = arith.constant 8192 : i32
      %mul3A_62 = arith.muli %scan3A_49, %mul3A_61 : i32
      %add3A_63 = arith.addi %mul3A_2, %mul3A_62 : i32
      %jit3A_64 = arith.constant 2 : i32
      %eq3A_65 = arith.constant 0 : i32
      %eq3A_66 = arith.cmpi eq, %jit3A_64, %eq3A_65 : i32
      %jit3A_67 = arith.constant 1 : i32
      %select_n3A_68 = arith.select %eq3A_66, %jit3A_67, %jit3A_64 : i32
      %rem3A_69 = arith.remsi %scan3A_49, %select_n3A_68 : i32
      %ne3A_70 = arith.constant 0 : i32
      %ne3A_71 = arith.cmpi ne, %rem3A_69, %ne3A_70 : i32
      %lt3A_72 = arith.constant 0 : i32
      %lt3A_73 = arith.cmpi slt, %rem3A_69, %lt3A_72 : i32
      %lt3A_74 = arith.constant 0 : i32
      %lt3A_75 = arith.cmpi slt, %select_n3A_68, %lt3A_74 : i32
      %ne3A_76 = arith.xori %lt3A_73, %lt3A_75 : i1
      %and3A_77 = arith.andi %ne3A_76, %ne3A_71 : i1
      %add3A_78 = arith.addi %rem3A_69, %select_n3A_68 : i32
      %select_n3A_79 = arith.select %and3A_77, %add3A_78, %rem3A_69 : i32
      %dma_wait3A = tpu.memref_slice %arg7[%mul3A_60] : memref<16384xi32, #tpu.memory_space<vmem>> -> memref<8192xi32, #tpu.memory_space<vmem>>
      %dma_wait3A_80 = tpu.memref_slice %arg2[%add3A_63] : memref<2097152xi32, #tpu.memory_space<hbm>> -> memref<8192xi32, #tpu.memory_space<hbm>>
      %dma_wait3A_81 = tpu.memref_slice %arg10[%select_n3A_79] : memref<2x!tpu.dma_semaphore, #tpu.memory_space<semaphore_mem>> -> memref<1x!tpu.dma_semaphore, #tpu.memory_space<semaphore_mem>>
      %dma_wait3A_82 = tpu.memref_squeeze %dma_wait3A_81 : memref<1x!tpu.dma_semaphore, #tpu.memory_space<semaphore_mem>> -> memref<!tpu.dma_semaphore, #tpu.memory_space<semaphore_mem>>
      %dma_wait3A_83 = tpu.memref_slice %arg7[%mul3A_60] : memref<16384xi32, #tpu.memory_space<vmem>> -> memref<8192xi32, #tpu.memory_space<vmem>>
      %dma_wait3A_84 = tpu.memref_slice %arg2[%add3A_63] : memref<2097152xi32, #tpu.memory_space<hbm>> -> memref<8192xi32, #tpu.memory_space<hbm>>
      tpu.wait_dma2 semaphore(%dma_wait3A_82 : memref<!tpu.dma_semaphore, #tpu.memory_space<semaphore_mem>>) src(%dma_wait3A_84 : memref<8192xi32, #tpu.memory_space<hbm>>) dst(%dma_wait3A_83 : memref<8192xi32, #tpu.memory_space<vmem>>)
      %dma_wait3A_85 = tpu.memref_slice %arg8[%mul3A_60] : memref<16384xi32, #tpu.memory_space<vmem>> -> memref<8192xi32, #tpu.memory_space<vmem>>
      %dma_wait3A_86 = tpu.memref_slice %arg3[%add3A_63] : memref<2097152xi32, #tpu.memory_space<hbm>> -> memref<8192xi32, #tpu.memory_space<hbm>>
      %dma_wait3A_87 = tpu.memref_slice %arg11[%select_n3A_79] : memref<2x!tpu.dma_semaphore, #tpu.memory_space<semaphore_mem>> -> memref<1x!tpu.dma_semaphore, #tpu.memory_space<semaphore_mem>>
      %dma_wait3A_88 = tpu.memref_squeeze %dma_wait3A_87 : memref<1x!tpu.dma_semaphore, #tpu.memory_space<semaphore_mem>> -> memref<!tpu.dma_semaphore, #tpu.memory_space<semaphore_mem>>
      %dma_wait3A_89 = tpu.memref_slice %arg8[%mul3A_60] : memref<16384xi32, #tpu.memory_space<vmem>> -> memref<8192xi32, #tpu.memory_space<vmem>>
      %dma_wait3A_90 = tpu.memref_slice %arg3[%add3A_63] : memref<2097152xi32, #tpu.memory_space<hbm>> -> memref<8192xi32, #tpu.memory_space<hbm>>
      tpu.wait_dma2 semaphore(%dma_wait3A_88 : memref<!tpu.dma_semaphore, #tpu.memory_space<semaphore_mem>>) src(%dma_wait3A_90 : memref<8192xi32, #tpu.memory_space<hbm>>) dst(%dma_wait3A_89 : memref<8192xi32, #tpu.memory_space<vmem>>)
      %jit3A_91 = arith.constant 2 : i32
      %eq3A_92 = arith.constant 0 : i32
      %eq3A_93 = arith.cmpi eq, %jit3A_91, %eq3A_92 : i32
      %jit3A_94 = arith.constant 1 : i32
      %select_n3A_95 = arith.select %eq3A_93, %jit3A_94, %jit3A_91 : i32
      %rem3A_96 = arith.remsi %scan3A_49, %select_n3A_95 : i32
      %ne3A_97 = arith.constant 0 : i32
      %ne3A_98 = arith.cmpi ne, %rem3A_96, %ne3A_97 : i32
      %lt3A_99 = arith.constant 0 : i32
      %lt3A_100 = arith.cmpi slt, %rem3A_96, %lt3A_99 : i32
      %lt3A_101 = arith.constant 0 : i32
      %lt3A_102 = arith.cmpi slt, %select_n3A_95, %lt3A_101 : i32
      %ne3A_103 = arith.xori %lt3A_100, %lt3A_102 : i1
      %and3A_104 = arith.andi %ne3A_103, %ne3A_98 : i1
      %add3A_105 = arith.addi %rem3A_96, %select_n3A_95 : i32
      %select_n3A_106 = arith.select %and3A_104, %add3A_105, %rem3A_96 : i32
      %mul3A_107 = arith.constant 8192 : i32
      %mul3A_108 = arith.muli %select_n3A_106, %mul3A_107 : i32
      %parallel_loop3A_109 = arith.constant 0 : i32
      %parallel_loop3A_110 = arith.constant 512 : i32
      %parallel_loop3A_111 = arith.constant 1 : i32
      scf.for %parallel_loop3A_117 = %parallel_loop3A_109 to %parallel_loop3A_110 step %parallel_loop3A_111  : i32 {
        %parallel_loop3A_118 = arith.constant 16 : i32
        %parallel_loop3A_119 = arith.muli %parallel_loop3A_117, %parallel_loop3A_118 : i32
        %parallel_loop3A_120 = arith.addi %mul3A_108, %parallel_loop3A_119 : i32
        %parallel_loop3A_121 = arith.index_cast %parallel_loop3A_120 : i32 to index
        %parallel_loop3A_122 = tpu.vector_load %arg8[%parallel_loop3A_121] {strides = array<i32>} : memref<16384xi32, #tpu.memory_space<vmem>>, vector<16xi32>,
        %parallel_loop3A_123 = arith.constant true
        %parallel_loop3A_124 = vector.broadcast %parallel_loop3A_123 : i1 to vector<16xi1>
        %parallel_loop3A_125, %parallel_loop3A_126 = tpu.scan_count mask(%parallel_loop3A_124 : vector<16xi1>) value(%parallel_loop3A_122 : vector<16xi32>) : vector<16xi1>, vector<16xi32>
        %parallel_loop3A_127 = arith.constant 1 : i32
        %parallel_loop3A_128 = vector.broadcast %parallel_loop3A_127 : i32 to vector<16xi32>
        %parallel_loop3A_129 = arith.cmpi eq, %parallel_loop3A_126, %parallel_loop3A_128 : vector<16xi32>
        %parallel_loop3A_130 = arith.constant 16 : i32
        %parallel_loop3A_131 = arith.muli %parallel_loop3A_117, %parallel_loop3A_130 : i32
        %parallel_loop3A_132 = arith.addi %mul3A_108, %parallel_loop3A_131 : i32
        %parallel_loop3A_133 = arith.index_cast %parallel_loop3A_132 : i32 to index
        %parallel_loop3A_134 = tpu.vector_load %arg7[%parallel_loop3A_133] {strides = array<i32>} : memref<16384xi32, #tpu.memory_space<vmem>>, vector<16xi32>,
        %parallel_loop3A_135 = tpu.vector_load_idx %arg6[%parallel_loop3A_134] : memref<100xf32, #tpu.memory_space<vmem>>[vector<16xi32>], vector<16xf32>,
        %parallel_loop3A_136 = arith.constant true
        %parallel_loop3A_137 = vector.broadcast %parallel_loop3A_136 : i1 to vector<16xi1>
        %parallel_loop3A_138 = tpu.scan <sum>, %parallel_loop3A_135 masked %parallel_loop3A_137 : vector<16xf32>, vector<16xi1> -> vector<16xf32>
        tpu.vector_store_idx %arg9[%parallel_loop3A_122], %parallel_loop3A_138 masked %parallel_loop3A_125 {add = true} : memref<8192xf32, #tpu.memory_space<vmem>>[vector<16xi32>], vector<16xf32>, vector<16xi1>
        %parallel_loop3A_139 = arith.subf %parallel_loop3A_135, %parallel_loop3A_138 : vector<16xf32>
        tpu.vector_store_idx %arg9[%parallel_loop3A_122], %parallel_loop3A_139 masked %parallel_loop3A_129 {add = true} : memref<8192xf32, #tpu.memory_space<vmem>>[vector<16xi32>], vector<16xf32>, vector<16xi1>
      } {sc.loop_unroll_factor = 8 : i64, sc.parallel_access}
      %add3A_112 = arith.constant 2 : i32
      %add3A_113 = arith.addi %scan3A_49, %add3A_112 : i32
      %lt3A_114 = arith.constant 8 : i32
      %lt3A_115 = arith.cmpi slt, %add3A_113, %lt3A_114 : i32
      %convert_element_type3A = arith.extui %lt3A_115 : i1 to i32
      %cond3A = arith.constant 0 : i32
      %cond3A_116 = arith.cmpi ne, %convert_element_type3A, %cond3A : i32
      scf.if %cond3A_116 {
        %add3A_117 = arith.constant 2 : i32
        %add3A_118 = arith.addi %scan3A_49, %add3A_117 : i32
        %jit3A_119 = arith.constant 2 : i32
        %eq3A_120 = arith.constant 0 : i32
        %eq3A_121 = arith.cmpi eq, %jit3A_119, %eq3A_120 : i32
        %jit3A_122 = arith.constant 1 : i32
        %select_n3A_123 = arith.select %eq3A_121, %jit3A_122, %jit3A_119 : i32
        %rem3A_124 = arith.remsi %add3A_118, %select_n3A_123 : i32
        %ne3A_125 = arith.constant 0 : i32
        %ne3A_126 = arith.cmpi ne, %rem3A_124, %ne3A_125 : i32
        %lt3A_127 = arith.constant 0 : i32
        %lt3A_128 = arith.cmpi slt, %rem3A_124, %lt3A_127 : i32
        %lt3A_129 = arith.constant 0 : i32
        %lt3A_130 = arith.cmpi slt, %select_n3A_123, %lt3A_129 : i32
        %ne3A_131 = arith.xori %lt3A_128, %lt3A_130 : i1
        %and3A_132 = arith.andi %ne3A_131, %ne3A_126 : i1
        %add3A_133 = arith.addi %rem3A_124, %select_n3A_123 : i32
        %select_n3A_134 = arith.select %and3A_132, %add3A_133, %rem3A_124 : i32
        %mul3A_135 = arith.constant 8192 : i32
        %mul3A_136 = arith.muli %select_n3A_134, %mul3A_135 : i32
        %mul3A_137 = arith.constant 8192 : i32
        %mul3A_138 = arith.muli %add3A_118, %mul3A_137 : i32
        %add3A_139 = arith.addi %mul3A_2, %mul3A_138 : i32
        %jit3A_140 = arith.constant 2 : i32
        %eq3A_141 = arith.constant 0 : i32
        %eq3A_142 = arith.cmpi eq, %jit3A_140, %eq3A_141 : i32
        %jit3A_143 = arith.constant 1 : i32
        %select_n3A_144 = arith.select %eq3A_142, %jit3A_143, %jit3A_140 : i32
        %rem3A_145 = arith.remsi %add3A_118, %select_n3A_144 : i32
        %ne3A_146 = arith.constant 0 : i32
        %ne3A_147 = arith.cmpi ne, %rem3A_145, %ne3A_146 : i32
        %lt3A_148 = arith.constant 0 : i32
        %lt3A_149 = arith.cmpi slt, %rem3A_145, %lt3A_148 : i32
        %lt3A_150 = arith.constant 0 : i32
        %lt3A_151 = arith.cmpi slt, %select_n3A_144, %lt3A_150 : i32
        %ne3A_152 = arith.xori %lt3A_149, %lt3A_151 : i1
        %and3A_153 = arith.andi %ne3A_152, %ne3A_147 : i1
        %add3A_154 = arith.addi %rem3A_145, %select_n3A_144 : i32
        %select_n3A_155 = arith.select %and3A_153, %add3A_154, %rem3A_145 : i32
        %dma_start3A_156 = tpu.memref_slice %arg7[%mul3A_136] : memref<16384xi32, #tpu.memory_space<vmem>> -> memref<8192xi32, #tpu.memory_space<vmem>>
        %dma_start3A_157 = tpu.memref_slice %arg2[%add3A_139] : memref<2097152xi32, #tpu.memory_space<hbm>> -> memref<8192xi32, #tpu.memory_space<hbm>>
        %dma_start3A_158 = tpu.memref_slice %arg10[%select_n3A_155] : memref<2x!tpu.dma_semaphore, #tpu.memory_space<semaphore_mem>> -> memref<1x!tpu.dma_semaphore, #tpu.memory_space<semaphore_mem>>
        %dma_start3A_159 = tpu.memref_squeeze %dma_start3A_158 : memref<1x!tpu.dma_semaphore, #tpu.memory_space<semaphore_mem>> -> memref<!tpu.dma_semaphore, #tpu.memory_space<semaphore_mem>>
        %dma_start3A_160 = tpu.memref_slice %arg7[%mul3A_136] : memref<16384xi32, #tpu.memory_space<vmem>> -> memref<8192xi32, #tpu.memory_space<vmem>>
        %dma_start3A_161 = tpu.memref_slice %arg2[%add3A_139] : memref<2097152xi32, #tpu.memory_space<hbm>> -> memref<8192xi32, #tpu.memory_space<hbm>>
        tpu.enqueue_dma source(%dma_start3A_161 : memref<8192xi32, #tpu.memory_space<hbm>>) target(%dma_start3A_160 : memref<8192xi32, #tpu.memory_space<vmem>>) target_semaphore(%dma_start3A_159 : memref<!tpu.dma_semaphore, #tpu.memory_space<semaphore_mem>>)
        %dma_start3A_162 = tpu.memref_slice %arg8[%mul3A_136] : memref<16384xi32, #tpu.memory_space<vmem>> -> memref<8192xi32, #tpu.memory_space<vmem>>
        %dma_start3A_163 = tpu.memref_slice %arg3[%add3A_139] : memref<2097152xi32, #tpu.memory_space<hbm>> -> memref<8192xi32, #tpu.memory_space<hbm>>
        %dma_start3A_164 = tpu.memref_slice %arg11[%select_n3A_155] : memref<2x!tpu.dma_semaphore, #tpu.memory_space<semaphore_mem>> -> memref<1x!tpu.dma_semaphore, #tpu.memory_space<semaphore_mem>>
        %dma_start3A_165 = tpu.memref_squeeze %dma_start3A_164 : memref<1x!tpu.dma_semaphore, #tpu.memory_space<semaphore_mem>> -> memref<!tpu.dma_semaphore, #tpu.memory_space<semaphore_mem>>
        %dma_start3A_166 = tpu.memref_slice %arg8[%mul3A_136] : memref<16384xi32, #tpu.memory_space<vmem>> -> memref<8192xi32, #tpu.memory_space<vmem>>
        %dma_start3A_167 = tpu.memref_slice %arg3[%add3A_139] : memref<2097152xi32, #tpu.memory_space<hbm>> -> memref<8192xi32, #tpu.memory_space<hbm>>
        tpu.enqueue_dma source(%dma_start3A_167 : memref<8192xi32, #tpu.memory_space<hbm>>) target(%dma_start3A_166 : memref<8192xi32, #tpu.memory_space<vmem>>) target_semaphore(%dma_start3A_165 : memref<!tpu.dma_semaphore, #tpu.memory_space<semaphore_mem>>)
      } else {
      }
    }
    %scan3A_48 = arith.constant 8 : i32
    "tpu.region"() ({
      %run_scoped3A = tpu.sem_alloc : memref<!tpu.dma_semaphore, #tpu.memory_space<semaphore_mem>>
      %dma_start3A_49 = arith.constant 0 : i32
      %dma_start3A_50 = tpu.memref_slice %arg5[%add3A, %dma_start3A_49] : memref<32x8192xf32, #tpu.memory_space<hbm>> -> memref<1x8192xf32, #tpu.memory_space<hbm>>
      %dma_start3A_51 = tpu.memref_squeeze %dma_start3A_50 : memref<1x8192xf32, #tpu.memory_space<hbm>> -> memref<8192xf32, #tpu.memory_space<hbm>>
      %dma_start3A_52 = arith.constant 0 : i32
      %dma_start3A_53 = tpu.memref_slice %arg5[%add3A, %dma_start3A_52] : memref<32x8192xf32, #tpu.memory_space<hbm>> -> memref<1x8192xf32, #tpu.memory_space<hbm>>
      %dma_start3A_54 = tpu.memref_squeeze %dma_start3A_53 : memref<1x8192xf32, #tpu.memory_space<hbm>> -> memref<8192xf32, #tpu.memory_space<hbm>>
      tpu.enqueue_dma source(%arg9 : memref<8192xf32, #tpu.memory_space<vmem>>) target(%dma_start3A_54 : memref<8192xf32, #tpu.memory_space<hbm>>) target_semaphore(%run_scoped3A : memref<!tpu.dma_semaphore, #tpu.memory_space<semaphore_mem>>)
      %dma_wait3A = arith.constant 0 : i32
      %dma_wait3A_55 = tpu.memref_slice %arg5[%add3A, %dma_wait3A] : memref<32x8192xf32, #tpu.memory_space<hbm>> -> memref<1x8192xf32, #tpu.memory_space<hbm>>
      %dma_wait3A_56 = tpu.memref_squeeze %dma_wait3A_55 : memref<1x8192xf32, #tpu.memory_space<hbm>> -> memref<8192xf32, #tpu.memory_space<hbm>>
      %dma_wait3A_57 = arith.constant 0 : i32
      %dma_wait3A_58 = tpu.memref_slice %arg5[%add3A, %dma_wait3A_57] : memref<32x8192xf32, #tpu.memory_space<hbm>> -> memref<1x8192xf32, #tpu.memory_space<hbm>>
      %dma_wait3A_59 = tpu.memref_squeeze %dma_wait3A_58 : memref<1x8192xf32, #tpu.memory_space<hbm>> -> memref<8192xf32, #tpu.memory_space<hbm>>
      tpu.wait_dma2 semaphore(%run_scoped3A : memref<!tpu.dma_semaphore, #tpu.memory_space<semaphore_mem>>) src(%arg9 : memref<8192xf32, #tpu.memory_space<vmem>>) dst(%dma_wait3A_59 : memref<8192xf32, #tpu.memory_space<hbm>>)
      tpu.yield
    }) : () -> ()
    return
  }
}

module attributes {stable_mosaic.version = 14 : i64} {
  func.func @_merge_body(%arg0: memref<32x8192xf32, #tpu.memory_space<vmem>>, %arg1: memref<1x8192xf32, #tpu.memory_space<vmem>>) attributes {dimension_semantics = [], scalar_prefetch = 0 : i64, scratch_operands = 0 : i64, tpu.core_type = #tpu.core_type<tc>} {
    %get3A = arith.constant 0 : index
    %get3A_0 = arith.constant 0 : index
    %get3A_1 = vector.load %arg0[%get3A, %get3A_0] : memref<32x8192xf32, #tpu.memory_space<vmem>>, vector<32x8192xf32>
    %reduce_sum3A = arith.constant dense<0.000000e+00> : vector<8192xf32>
    %reduce_sum3A_2 = vector.multi_reduction <add>, %get3A_1, %reduce_sum3A [0] : vector<32x8192xf32> to vector<8192xf32>
    %broadcast_in_dim3A = vector.shape_cast %reduce_sum3A_2 : vector<8192xf32> to vector<1x8192xf32>
    %swap3A = arith.constant 0 : index
    %swap3A_3 = arith.constant 0 : index
    %swap3A_4 = vector.load %arg1[%swap3A, %swap3A_3] : memref<1x8192xf32, #tpu.memory_space<vmem>>, vector<1x8192xf32>
    tpu.vector_store %arg1[%swap3A, %swap3A_3], %broadcast_in_dim3A {strides = array<i32>} : memref<1x8192xf32, #tpu.memory_space<vmem>>, vector<1x8192xf32>,
    return
  }
}

</mosaic_0001>

<sc_bundles>
// kernel: kernel.4.cloned.1.call-start
scs
__scs_entry_jumppad:
0x0: {  	(pc) =	sbr.rel $0x88, $3  }
0x1: {  	(tag) =	ssettag $0x0;
	lr =	simm.s32 $0x1  }
0x2: {  	[smem:$0x3F9E] =	sst lr;
	_ =	strace $0xD0000000  }
0x3: {  	_ = 	snop  }
0x4: {  	_ = 	snop  }
0x5: {  	_ = 	snop  }
0x6: {  	_ = 	snop  }
0x7: {  	_ = 	snop  }
__scs_overlays_trampoline_lowered:
0x8: {  	[smem:$0x3FAD] =	sst s0  }
0x9: {  	[smem:$0x3FAE] =	sst s1  }
0xa: {  	[smem:$0x3FAF] =	sst s2  }
0xb: {  	[smem:$0x3FB0] =	sst s3  }
0xc: {  	[smem:$0x3FB1] =	sst s4  }
0xd: {  	[smem:$0x3FB2] =	sst s5  }
0xe: {  	[smem:$0x3FB3] =	sst s6  }
0xf: {  	[smem:$0x3FB4] =	sst s7  }
0x10: {  	[smem:$0x3FB5] =	sst s8  }
0x11: {  	[smem:$0x3FB6] =	sst s9;
	s0 =	simm.s32 @!p0 $0x0  }
0x12: {  	s1 =	sld [smem:$0x3F9C];
	s0 =	simm.s32 @p0 $0x1  }
0x13: {  	[smem:$0x3FB7] =	sst s0;
	s0 =	simm.s32 @!p1 $0x0  }
0x14: {  	s2 =	sld [smem:$0x3F9B];
	s0 =	simm.s32 @p1 $0x1  }
0x15: {  	[smem:$0x3FB8] =	sst s0;
	s0 =	simm.s32 @!p2 $0x0  }
0x16: {  	s3 =	sld [smem:$0x3FDB];
	s0 =	simm.s32 @p2 $0x1  }
0x17: {  	s4 =	simm.s32 $0x1BF5;
	[smem:$0x3FBA] =	sst s0  }
0x18: {  	s0 =	sld [smem:$0x3F9D];
	_ =	swait.ge [sflag:s4], $0x0  }
0x19: {  	s7 =	sld [smem:$0x3F9E]  }
0x1a: {  	s8 =	sadd.s32 $0xFFFFE003, lr  }
0x1b: {  	s9 =	sadd.s32 $0xFFFFFEF7, lr;
	s5 =	simm.s32 $0xFFFFFFFF;
	p2 =	slt.u32 s8, $0xFFFFF086  }
0x1c: {  	p1 =	slt.u32 s9, $0xF7A;
	s5 =	simm.s32 @!p2 $0x0  }
0x1d: {  	s5 =	simm.s32 @p1 $0x1;
	p0 =	seq.s32 s7, s2  }
0x1e: {  	s7 =	smul.u32 @!p0 $0xF7A, s2;
	p2 =	seq.s32 @!p0 s5, $0x0  }
0x1f: {  	s9 =	smul.u32 $0xF7A, s1;
	s8 =	simm.s32 @!p0 $0x1BF5;
	p2 =	por !p2, p0  }
0x20: {  	[sflag:s8] =	ssyncset.s32 @!p0 $0xFFFFF086;
	s6 =	sadd.s32 @!p0 s3, s7;
	s7 =	simm.s32 @!p0 $0x108  }
0x21: {  	s3 =	sadd.s32 s3, s9;
	s6 =	sadd.s32 @!p0 $0x88, s6;
	s7 =	simm.s32 @p2 $0x1082  }
0x22: {  	[simem:s7], [sflag:s8] =	dma.local @!p0 [hbm:s6], $0xF7A  }
0x23: {  	s9 =	sor.u32 $0xD0000000, s2;
	s6 =	simm.s32 $0x108;
	_ =	swait.ge @!p0 [sflag:s8], $0x0  }
0x24: {  	s3 =	sadd.s32 $0x88, s3;
	s6 =	simm.s32 @!p1 $0x1082;
	[sflag:s4] =	ssyncset.s32 $0xFFFFF086  }
0x25: {  	[simem:s6], [sflag:s4] =	dma.local [hbm:s3], $0xF7A  }
0x26: {  	[smem:$0x3F9E] =	sst s1;
	(tag) =	ssettag s2;
	_ =	strace s9  }
0x27: {  	s1 =	sld [smem:$0x3FAE]  }
0x28: {  	s2 =	sld [smem:$0x3FAF]  }
0x29: {  	s4 =	sld [smem:$0x3FB1]  }
0x2a: {  	p0 =	seq.s32 s5, $0x0;
	s5 =	sld [smem:$0x3FB2]  }
0x2b: {  	s6 =	sld [smem:$0x3FB3]  }
0x2c: {  	s7 =	sld [smem:$0x3FB4]  }
0x2d: {  	s3 =	simm.s32 $0x108;
	s8 =	sld [smem:$0x3FB5]  }
0x2e: {  	s3 =	simm.s32 @!p0 $0x1082;
	s9 =	sld [smem:$0x3FB6]  }
0x2f: {  	lr =	sadd.s32 s0, s3;
	s0 =	sld [smem:$0x3FAD]  }
0x30: {  	s3 =	sld [smem:$0x3FB0]  }
0x31: {  	[smem:$0x3FB9] =	sst s10  }
0x32: {  	s10 =	sld [smem:$0x3FB7];
	_ =	sdelay $0x3  }
0x33: {  	p0 =	seq.s32 s10, $0x1;
	s10 =	sld [smem:$0x3FB9];
	_ =	sdelay $0x3  }
0x34: {  	[smem:$0x3FB9] =	sst s10  }
0x35: {  	s10 =	sld [smem:$0x3FB8];
	_ =	sdelay $0x3  }
0x36: {  	p1 =	seq.s32 s10, $0x1;
	s10 =	sld [smem:$0x3FB9];
	_ =	sdelay $0x3  }
0x37: {  	[smem:$0x3FB9] =	sst s10  }
0x38: {  	s10 =	sld [smem:$0x3FBA]  }
0x39: {  	_ = 	snop;
	(pc) =	sbr.ind lr, $3  }
0x3a: {  	_ = 	snop  }
0x3b: {  	_ = 	snop  }
0x3c: {  	p2 =	seq.s32 s10, $0x1;
	s10 =	sld [smem:$0x3FB9]  }
0x3d: {  	_ =	shalt  }
0x3e: {  	_ =	shalt  }
0x3f: {  	_ =	shalt  }
0x40: {  	_ =	shalt  }
0x41: {  	_ =	shalt  }
0x42: {  	_ =	shalt  }
0x43: {  	_ =	shalt  }
0x44: {  	_ =	shalt  }
0x45: {  	_ =	shalt  }
0x46: {  	_ =	shalt  }
0x47: {  	_ =	shalt  }
0x48: {  	_ =	shalt  }
0x49: {  	_ =	shalt  }
0x4a: {  	_ =	shalt  }
0x4b: {  	_ =	shalt  }
0x4c: {  	_ =	shalt  }
0x4d: {  	_ =	shalt  }
0x4e: {  	_ =	shalt  }
0x4f: {  	_ =	shalt  }
0x50: {  	_ =	shalt  }
0x51: {  	_ =	shalt  }
0x52: {  	_ =	shalt  }
0x53: {  	_ =	shalt  }
0x54: {  	_ =	shalt  }
0x55: {  	_ =	shalt  }
0x56: {  	_ =	shalt  }
0x57: {  	_ =	shalt  }
0x58: {  	_ =	shalt  }
0x59: {  	_ =	shalt  }
0x5a: {  	_ =	shalt  }
0x5b: {  	_ =	shalt  }
0x5c: {  	_ =	shalt  }
0x5d: {  	_ =	shalt  }
0x5e: {  	_ =	shalt  }
0x5f: {  	_ =	shalt  }
0x60: {  	_ =	shalt  }
0x61: {  	_ =	shalt  }
0x62: {  	_ =	shalt  }
0x63: {  	_ =	shalt  }
0x64: {  	_ =	shalt  }
0x65: {  	_ =	shalt  }
0x66: {  	_ =	shalt  }
0x67: {  	_ =	shalt  }
0x68: {  	_ =	shalt  }
0x69: {  	_ =	shalt  }
0x6a: {  	_ =	shalt  }
0x6b: {  	_ =	shalt  }
0x6c: {  	_ =	shalt  }
0x6d: {  	_ =	shalt  }
0x6e: {  	_ =	shalt  }
0x6f: {  	_ =	shalt  }
0x70: {  	_ =	shalt  }
0x71: {  	_ =	shalt  }
0x72: {  	_ =	shalt  }
0x73: {  	_ =	shalt  }
0x74: {  	_ =	shalt  }
0x75: {  	_ =	shalt  }
0x76: {  	_ =	shalt  }
0x77: {  	_ =	shalt  }
0x78: {  	_ =	shalt  }
0x79: {  	_ =	shalt  }
0x7a: {  	_ =	shalt  }
0x7b: {  	_ =	shalt  }
0x7c: {  	_ =	shalt  }
0x7d: {  	_ =	shalt  }
0x7e: {  	_ =	shalt  }
0x7f: {  	_ =	shalt  }
0x80: {  	_ =	shalt  }
0x81: {  	_ =	shalt  }
0x82: {  	_ =	shalt  }
0x83: {  	_ =	shalt  }
0x84: {  	_ =	shalt  }
0x85: {  	_ =	shalt  }
0x86: {  	_ =	shalt  }
0x87: {  	_ =	shalt  }
.Lfunc_end0:
.L_simem_size_0:
called_computation_lowered:
.L_overlay_start_0:
0x88: {  	s2 =	sld [smem:$0x3FD9]  }
0x89: {  	s3 =	sld [smem:$0x3FFE];
	_ =	sdelay $0x1  }
0x8a: {  	s1 =	srdreg.scid  }
0x8b: {  	s0 =	sand.u32 $0x1, s1  }
0x8c: {  	s17 =	sshll.u32 s0, $0xA;
	s2 =	sadd.s32 s3, s2  }
0x8d: {  	s2 =	sadd.s32 s2, s17  }
0x8e: {  	[smem:$0x3FC5] =	sst s2  }
0x8f: {  	_ = 	snop  }
0x90: {  	s2 =	sld [smem:$0x3FC9]  }
0x91: {  	s18 =	sld [smem:$0x3FC8]  }
0x92: {  	s4 =	sld [smem:$0x3FC7];
	(tm) =	ssettm $0x1  }
0x93: {  	s5 =	sld [smem:$0x3FFB];
	_ =	sdelay $0x3  }
0x94: {  	_ =	strace s5  }
0x95: {  	s5 =	sld [smem:$0x3FFC];
	_ =	sdelay $0x3  }
0x96: {  	_ =	strace s5  }
0x97: {  	s5 =	sld [smem:$0x3FFD];
	_ =	sdelay $0x3  }
0x98: {  	_ =	strace s5  }
0x99: {  	_ =	strace $0x8FFFFFFF  }
0x9a: {  	s19 =	sld [smem:$0x3FDB];
	_ =	sdelay $0x1  }
0x9b: {  	s6 =	simm.s32 $_scs_section_size  }
0x9c: {  	s7 =	simm.s32 $_size__tile_overlayer_lowered;
	s8 =	simm.s32 $_tile_overlayer_lowered  }
0x9d: {  	s22 =	simm.s32 $0x1BFF;
	s21 =	sshll.u32 s8, $0x1;
	s5 =	sadd.s32 s6, s19  }
0x9e: {  	s9 =	simm.s32 $0x0;
	s20 =	sshll.u32 s7, $0x1;
	s7 =	sadd.s32 s21, s5  }
0x9f: {  	[timem:s9], [sflag:s22] =	dma.local [hbm:s7], s20  }
0xa0: {  	_ =	swait.ge [sflag:s22], s20  }
0xa1: {  	s6 =	ssub.s32 $0x0, s20;
	[sflag:s22] =	ssyncset.done $0x0  }
0xa2: {  	[sflag:s22] =	ssyncadd.s32 s6;
	_ =	sdelay $0x1  }
0xa3: {  	s23 =	simm.s32 $0x1B8B  }
0xa4: {  	_ =	swait.ge [sflag:s23], $0x1  }
0xa5: {  	[sflag:s23] =	ssyncset.done $0x0  }
0xa6: {  	s25 =	simm.s32 $0x1B8E;
	s24 =	sld [smem:$0x3FFE];
	[sflag:s23] =	ssyncadd.s32 $0xFFFFFFFF  }
0xa7: {  	s26 =	simm.s32 $execute0_lowered;
	[smem:$0x3FD2] =	sst s25  }
0xa8: {  	s7 =	sshll.u32 s26, $0x1;
	_ =	strace $0x80000046;
	[dreg:$0x1] =	wrdreg $0xFFFFFFFF  }
0xa9: {  	s28 =	simm.s32 $_size_execute0_lowered;
	s5 =	sadd.s32 s5, s7;
	[dreg:$0x0] =	wrdreg $0x0  }
0xaa: {  	s7 =	sshll.u32 s28, $0x1;
	[dreg:$0x2] =	wrdreg s5  }
0xab: {  	[dreg:$0x3] =	wrdreg s7  }
0xac: {  	[dreg:$0x4] =	wrdreg $0xC0  }
0xad: {  	_ =	task [dreg:s9], $0x5FFFF  }
0xae: {  	[dreg:$0x1] =	wrdreg $0xFFFFFFFF  }
0xaf: {  	[dreg:$0x0] =	wrdreg $0x60  }
0xb0: {  	[dreg:$0x2] =	wrdreg s2  }
0xb1: {  	[dreg:$0x3] =	wrdreg s18  }
0xb2: {  	[dreg:$0x4] =	wrdreg s4  }
0xb3: {  	[dreg:$0x5] =	wrdreg s24  }
0xb4: {  	[dreg:$0x6] =	wrdreg $0x9  }
0xb5: {  	_ =	task.clear_ibuf [dreg:s9], $0x7FFFF;
	_ =	strace $0x90000046  }
0xb6: {  	s29 =	simm.s32 $0x9;
	_ =	strace $0x80000048  }
0xb7: {  	_ =	swait.ge [sflag:s29], $0x1  }
0xb8: {  	[sflag:s29] =	ssyncadd.s32 $0xFFFFFFFF  }
0xb9: {  	_ =	strace $0x90000048  }
0xba: {  	_ =	sfence  }
0xbb: {  	s30 =	sld [smem:$0x0];
	_ =	sdelay $0x2  }
0xbc: {  	s31 =	sshll.u32 s1, $0xD;
	s1 =	sshrl.u32 s1, $0x2  }
0xbd: {  	s3 =	sand.u32 $0x4000, s31;
	s1 =	sadd.s32 s1, s30  }
0xbe: {  	s0 =	sor.u32 s3, s0;
	s1 =	sshll.u32 s1, $0x11  }
0xbf: {  	s0 =	sor.u32 s1, s0  }
0xc0: {  	s0 =	sadd.s32 $0x8F2B, s0  }
0xc1: {  	[sflag:s0] =	ssyncadd.remote.s32 $0x1  }
0xc2: {  	_ =	sfence.sel $0xFFFF  }
0xc3: {  	[dreg:$0x0] =	wrdreg $0xFFFFFFFF;
	(pc) =	sbr.abs _section_cstart, $3  }
0xc4: {  	[dreg:$0x1] =	wrdreg $0xFFFFFFFF  }
0xc5: {  	_ =	task.clear_ibuf [dreg:s9], $0x2FFFF;
	_ =	strace $0x9FFFFFFF  }
0xc6: {  	(tm) =	ssettm $0x7FFFFFFF  }
0xc7: {  	_ =	shalt  }
tec
execute0_lowered:
.L_overlay_start_1:
0x0: {  	(tag) =	ssettag $0x1  }
0x1: {  	s1 =	rddreg [dreg:$0x0]  }
0x2: {  	s3 =	srdreg.scid;
	s2 =	rddreg [dreg:$0x1]  }
0x3: {  	s0 =	stileid.u32;
	s4 =	rddreg [dreg:$0x2]  }
0x4: {  	s7 =	rddreg [dreg:$0x3];
	s5 =	simm.s32 $0x0;
	s13 =	simm.s32 $0x80  }
0x5: {  	s14 =	simm.s32 $0x4080;
	s15 =	simm.s32 $0x2080;
	s16 =	simm.s32 $0x6080  }
0x6: {  	s17 =	simm.s32 $0x5;
	s18 =	simm.s32 $0x8080;
	s19 =	simm.s32 $0x400  }
0x7: {  	s20 =	simm.s32 $0x0;
	s6 =	sand.u32 $0x1, s3;
	s30 =	sshll.u32 s0, $0x1  }
0x8: {  	[smem:$0x7FF] =	sst s5;
	s3 =	sor.u32 s6, s30;
	s6 =	ssub.s32 $0x2, s6  }
0x9: {  	s10 =	sshll.u32 s3, $0xD;
	s8 =	sshll.u32 s3, $0x7;
	s3 =	rddreg [dreg:$0x4]  }
0xa: {  	_ =	strace $0x80000047;
	s9 =	sshrl.u32 s6, $0x1;
	s8 =	sor.u32 s8, s10  }
0xb: {  	s12 =	ssub.s32 s6, s9;
	s31 =	sor.u32 $0x400, s10;
	s8 =	sand.u32 $0x30380, s8  }
0xc: {  	s6 =	sadd.s32 s1, s10;
	s9 =	sadd.s32 s2, s31;
	s8 =	sshrl.u32 s8, $0x3  }
0xd: {  	s12 =	smax.u32 s12, $0x1;
	s11 =	sadd.s32 s8, s7;
	s7 =	sadd.s32 s2, s10  }
0xe: {  	v0 =	vimm.f32 $0.0e+00;
	s8 =	sadd.s32 s1, s31;
	s10 =	sor.u32 $0x800, s10;
	s11 =	sadd.s32 $0x600, s11  }
.LBB2_1:
0xf: {  	[tilespmem:s13], [sflag:$0x1] =	stream.linear.gather [hbm4b:s6+s5], $0x2000, $0x38;
	[tilespmem:$0xA080] =	vst v63  }
0x10: {  	_ = 	snop  }
0x11: {  	[tilespmem:s14], [sflag:$0x3] =	stream.linear.gather [hbm4b:s7+s5], $0x2000, $0x38;
	[tilespmem:$0xA080] =	vst v63  }
0x12: {  	_ = 	snop  }
0x13: {  	[tilespmem:s15], [sflag:$0x2] =	stream.linear.gather [hbm4b:s8+s5], $0x2000, $0x38;
	[tilespmem:$0xA080] =	vst v63  }
0x14: {  	_ = 	snop  }
0x15: {  	[tilespmem:s16], [sflag:$0x4] =	stream.linear.gather [hbm4b:s9+s5], $0x2000, $0x38;
	[tilespmem:$0xA080] =	vst v63  }
0x16: {  	_ = 	snop  }
0x17: {  	[tilespmem:s5], [sflag:$0x5] =	stream.linear.gather [hbm4b:s4+s5], $0x80, $0x38;
	[tilespmem:$0xA080] =	vst v63  }
0x18: {  	_ =	swait.ge [sflag:s17], $0x80  }
0x19: {  	[sflag:s17] =	ssyncset.done $0x0  }
0x1a: {  	s21 =	simm.s32 $0x80C0;
	[sflag:s17] =	ssyncadd.s32 $0xFFFFFF80  }
0x1b: {  	[tilespmem:s21+$0xFFFFFFC0] =	vst v0  }
0x1c: {  	[tilespmem:s21+$0x30] =	vst v0  }
0x1d: {  	[tilespmem:s21+$0x20] =	vst v0  }
0x1e: {  	[tilespmem:s21+$0x10] =	vst v0  }
0x1f: {  	[tilespmem:s21+$0x0] =	vst v0  }
0x20: {  	[tilespmem:s21+$0xFFFFFFF0] =	vst v0  }
0x21: {  	s22 =	simm.s32 $0x0;
	p0 =	por $0x0, $0x0;
	[tilespmem:s21+$0xFFFFFFE0] =	vst v0  }
.LBB2_2:
0x22: {  	s22 =	sadd.s32 $0x8, s22;
	[tilespmem:s21+$0xFFFFFFD0] =	vst v0;
	s21 =	sadd.s32 $0x80, s21  }
0x23: {  	[tilespmem:s21+$0xFFFFFFC0] =	vst v0;
	p1 =	slt.u32 s22, $0x1F8  }
0x24: {  	[tilespmem:s21+$0x30] =	vst v0  }
.Ltmp0:
0x25: {  	[tilespmem:s21+$0x20] =	vst v0;
	(pc) =	sbr.rel @p1 .LBB2_2-.Ltmp0, $4  }
0x26: {  	[tilespmem:s21+$0x10] =	vst v0  }
0x27: {  	[tilespmem:s21+$0x0] =	vst v0  }
0x28: {  	[tilespmem:s21+$0xFFFFFFF0] =	vst v0  }
0x29: {  	[tilespmem:s21+$0xFFFFFFE0] =	vst v0  }
0x2a: {  	[tilespmem:s21+$0xFFFFFFD0] =	vst v0;
	s21 =	simm.s32 $0x0  }
.LBB2_4:
0x2b: {  	s24 =	sand.u32 $0x1, s21  }
0x2c: {  	s22 =	sadd.s32 $0x1, s24  }
0x2d: {  	_ =	swait.ge [sflag:s22], $0x2000  }
0x2e: {  	[sflag:s22] =	ssyncset.done $0x0  }
0x2f: {  	s25 =	simm.s32 $0x1;
	s23 =	sadd.s32 $0x3, s24;
	[sflag:s22] =	ssyncadd.s32 $0xFFFFE000  }
0x30: {  	s25 =	simm.s32 @!p0 $0x0;
	_ =	swait.ge [sflag:s23], $0x2000  }
0x31: {  	s25 =	sshll.u32 s25, $0xD;
	[sflag:s23] =	ssyncset.done $0x0  }
0x32: {  	s28 =	sor.u32 $0x40C0, s25;
	[sflag:s23] =	ssyncadd.s32 $0xFFFFE000  }
0x33: {  	s26 =	sor.u32 $0xC0, s25;
	v4 =	vld [tilespmem:s28+$0xFFFFFFF0]  }
0x34: {  	v3 =	vld [tilespmem:s26+$0x20]  }
0x35: {  	v7 =	vld [tilespmem:s28+$0x20]  }
0x36: {  	v2 =	vld [tilespmem:s28+$0xFFFFFFC0]  }
0x37: {  	v1 =	vld [tilespmem:s28+$0xFFFFFFD0]  }
0x38: {  	v8 =	vld [tilespmem:s26+$0xFFFFFFF0];
	(xrf1) =	vunique.msk.u32 $0xffff, v4  }
0x39: {  	v9 =	vld [tilespmem:s26+$0xFFFFFFE0]  }
0x3a: {  	v10 =	vld [tilespmem:s26+$0x10];
	(xrf1) =	vunique.msk.u32 $0xffff, v7  }
0x3b: {  	v5 =	vld [tilespmem:s28+$0xFFFFFFE0]  }
0x3c: {  	v13 =	vld.idx.msk [tilespmem:v3+s5+$0x0], $0xffff  }
0x3d: {  	v6 =	vld [tilespmem:s28+$0x10]  }
0x3e: {  	v17 =	vld [tilespmem:s26+$0x30]  }
0x3f: {  	v12 =	vld [tilespmem:s26+$0x0]  }
0x40: {  	(xrf1) =	vunique.msk.u32 $0xffff, v5;
	v14 =	vld.idx.msk [tilespmem:v8+s5+$0x0], $0xffff  }
0x41: {  	v11 =	vld [tilespmem:s26+$0xFFFFFFC0];
	(xrf2) =	vadd.scan.msk.f32 $0xffff, v13  }
0x42: {  	v19 =	vld [tilespmem:s26+$0xFFFFFFD0]  }
0x43: {  	v15 =	vld.idx.msk [tilespmem:v9+s5+$0x0], $0xffff;
	(xrf1) =	vunique.msk.u32 $0xffff, v2  }
0x44: {  	v16 =	vld.idx.msk [tilespmem:v10+s5+$0x0], $0xffff  }
0x45: {  	v8 =	vld [tilespmem:s28+$0x0];
	(xrf2) =	vadd.scan.msk.f32 $0xffff, v14  }
0x46: {  	v10 =	vld.idx.msk [tilespmem:v17+s5+$0x0], $0xffff;
	_, v17, vm0 =	vpop (xrf1);
	(xrf1) =	vunique.msk.u32 $0xffff, v6  }
0x47: {  	v3 =	vld [tilespmem:s28+$0x30]  }
0x48: {  	v9 =	vld.idx.msk [tilespmem:v12+s5+$0x0], $0xffff;
	(xrf2) =	vadd.scan.msk.f32 $0xffff, v15;
	_, v18, vm1 =	vpop (xrf1)  }
0x49: {  	s24 =	sshll.u32 s24, $0xD;
	v12 =	vld.idx.msk [tilespmem:v11+s5+$0x0], $0xffff  }
0x4a: {  	s25 =	simm.s32 $0x0;
	s26 =	sadd.s32 $0x80, s26;
	v11 =	vld.idx.msk [tilespmem:v19+s5+$0x0], $0xffff;
	s28 =	sadd.s32 $0x80, s28  }
.LBB2_5:
0x4b: {  	v19 =	vld [tilespmem:s28+$0xFFFFFFC0];
	s25 =	sadd.s32 $0x8, s25;
	(xrf1) =	vunique.msk.u32 $0xffff, v8;
	v20, _, _ =	vpop (xrf2)  }
0x4c: {  	v21 =	vld [tilespmem:s28+$0xFFFFFFD0];
	p1 =	slt.u32 s25, $0x1F8;
	(xrf2) =	vadd.scan.msk.f32 $0xffff, v16  }
0x4d: {  	v22 =	vld [tilespmem:s28+$0xFFFFFFF0]  }
0x4e: {  	[tilespmem:v7+s18+$0x0] =	vst.idx.add.f32.msk vm1, v20;
	_, v23, vm3 =	vpop (xrf1)  }
0x4f: {  	v24 =	vld [tilespmem:s28+$0x10];
	v25, _, _ =	vpop (xrf2);
	(xrf1) =	vunique.msk.u32 $0xffff, v3  }
0x50: {  	v26 =	vld [tilespmem:s26+$0xFFFFFFF0];
	v27 =	vsub.f32 v14, v25  }
0x51: {  	v13 =	vsub.f32 v13, v20;
	vm1 =	veq.s32 v17, $0x1;
	v14 =	vld [tilespmem:s28+$0x20];
	_, v17, vm2 =	vpop (xrf1);
	(xrf2) =	vadd.scan.msk.f32 $0xffff, v10  }
0x52: {  	vm4 =	veq.s32 v18, $0x1;
	v20 =	vld [tilespmem:s26+$0x20];
	(xrf1) =	vunique.msk.u32 $0xffff, v1;
	v18, _, _ =	vpop (xrf2)  }
0x53: {  	v15 =	vsub.f32 v15, v18;
	[tilespmem:v4+s18+$0x0] =	vst.idx.add.f32.msk vm0, v25  }
0x54: {  	v25 =	vld [tilespmem:s26+$0xFFFFFFC0];
	(xrf2) =	vadd.scan.msk.f32 $0xffff, v12;
	_, v28, vm6 =	vpop (xrf1)  }
0x55: {  	v29 =	vld [tilespmem:s26+$0xFFFFFFD0];
	vm5 =	veq.s32 v28, $0x1  }
0x56: {  	v28 =	vld [tilespmem:s28+$0x30];
	v30, _, _ =	vpop (xrf2)  }
0x57: {  	[tilespmem:v5+s18+$0x0] =	vst.idx.add.f32.msk vm3, v18;
	v16 =	vsub.f32 v16, v30;
	(xrf2) =	vadd.scan.msk.f32 $0xffff, v11  }
0x58: {  	v18 =	vld [tilespmem:s26+$0x10]  }
0x59: {  	vm0 =	veq.s32 v17, $0x1;
	v31 =	vld [tilespmem:s26+$0x0];
	_, v17, vm3 =	vpop (xrf1)  }
0x5a: {  	v32 =	vld [tilespmem:s26+$0x30];
	(xrf2) =	vadd.scan.msk.f32 $0xffff, v9  }
0x5b: {  	[tilespmem:v7+s18+$0x0] =	vst.idx.add.f32.msk vm4, v13;
	v33, _, _ =	vpop (xrf2);
	v7 =	vmov v14  }
0x5c: {  	[tilespmem:v6+s18+$0x0] =	vst.idx.add.f32.msk vm6, v30  }
0x5d: {  	v30 =	vld [tilespmem:s28+$0xFFFFFFE0];
	_, v34, vm6 =	vpop (xrf1)  }
0x5e: {  	vm4 =	veq.s32 v17, $0x1;
	v35 =	vld [tilespmem:s26+$0xFFFFFFE0];
	v17, _, _ =	vpop (xrf2)  }
0x5f: {  	vm7 =	veq.s32 v23, $0x1;
	v13 =	vld.idx.msk [tilespmem:v20+s5+$0x0], $0xffff;
	(xrf1) =	vunique.msk.u32 $0xffff, v22  }
0x60: {  	[tilespmem:v2+s18+$0x0] =	vst.idx.add.f32.msk vm2, v17;
	_, v20, vm2 =	vpop (xrf1)  }
0x61: {  	v10 =	vsub.f32 v10, v33;
	[tilespmem:v6+s18+$0x0] =	vst.idx.add.f32.msk vm5, v16;
	v16, _, _ =	vpop (xrf2);
	v6 =	vmov v24  }
0x62: {  	v12 =	vsub.f32 v12, v17;
	v14 =	vld.idx.msk [tilespmem:v26+s5+$0x0], $0xffff;
	(xrf1) =	vunique.msk.u32 $0xffff, v7  }
0x63: {  	[tilespmem:v4+s18+$0x0] =	vst.idx.add.f32.msk vm1, v27;
	v4 =	vmov v22  }
0x64: {  	v11 =	vsub.f32 v11, v16;
	vm1 =	veq.s32 v34, $0x1;
	[tilespmem:v3+s18+$0x0] =	vst.idx.add.f32.msk vm6, v33;
	v17, _, _ =	vpop (xrf2)  }
0x65: {  	vm5 =	veq.s32 v20, $0x1;
	[tilespmem:v5+s18+$0x0] =	vst.idx.add.f32.msk vm7, v15;
	v9 =	vsub.f32 v9, v17;
	v5 =	vmov v30  }
0x66: {  	v15 =	vld.idx.msk [tilespmem:v35+s5+$0x0], $0xffff  }
0x67: {  	[tilespmem:v8+s18+$0x0] =	vst.idx.add.f32.msk vm3, v17  }
0x68: {  	(xrf1) =	vunique.msk.u32 $0xffff, v5;
	[tilespmem:v1+s18+$0x0] =	vst.idx.add.f32.msk vm2, v16  }
0x69: {  	(xrf2) =	vadd.scan.msk.f32 $0xffff, v13;
	[tilespmem:v8+s18+$0x0] =	vst.idx.add.f32.msk vm4, v9  }
0x6a: {  	[tilespmem:v3+s18+$0x0] =	vst.idx.add.f32.msk vm1, v10;
	v3 =	vmov v28  }
0x6b: {  	(xrf1) =	vunique.msk.u32 $0xffff, v19;
	[tilespmem:v2+s18+$0x0] =	vst.idx.add.f32.msk vm0, v12;
	v2 =	vmov v19  }
0x6c: {  	[tilespmem:v1+s18+$0x0] =	vst.idx.add.f32.msk vm5, v11;
	v1 =	vmov v21  }
0x6d: {  	v16 =	vld.idx.msk [tilespmem:v18+s5+$0x0], $0xffff;
	_, v17, vm0 =	vpop (xrf1);
	(xrf2) =	vadd.scan.msk.f32 $0xffff, v14  }
.Ltmp1:
0x6e: {  	v8 =	vld [tilespmem:s28+$0x0];
	(xrf1) =	vunique.msk.u32 $0xffff, v6;
	(pc) =	sbr.rel @p1 .LBB2_5-.Ltmp1, $4  }
0x6f: {  	v10 =	vld.idx.msk [tilespmem:v32+s5+$0x0], $0xffff  }
0x70: {  	v9 =	vld.idx.msk [tilespmem:v31+s5+$0x0], $0xffff;
	(xrf2) =	vadd.scan.msk.f32 $0xffff, v15;
	_, v18, vm1 =	vpop (xrf1)  }
0x71: {  	v12 =	vld.idx.msk [tilespmem:v25+s5+$0x0], $0xffff  }
0x72: {  	s26 =	sadd.s32 $0x80, s26;
	s28 =	sadd.s32 $0x80, s28;
	v11 =	vld.idx.msk [tilespmem:v29+s5+$0x0], $0xffff  }
0x73: {  	(xrf1) =	vunique.msk.u32 $0xffff, v8  }
0x74: {  	(xrf2) =	vadd.scan.msk.f32 $0xffff, v16  }
0x75: {  	(xrf1) =	vunique.msk.u32 $0xffff, v3  }
0x76: {  	(xrf2) =	vadd.scan.msk.f32 $0xffff, v10  }
0x77: {  	(xrf1) =	vunique.msk.u32 $0xffff, v1  }
0x78: {  	v19, _, _ =	vpop (xrf2);
	(xrf2) =	vadd.scan.msk.f32 $0xffff, v12;
	_ =	sdelay $0x2  }
0x79: {  	vm3 =	veq.s32 v18, $0x1;
	_, v20, vm2 =	vpop (xrf1)  }
0x7a: {  	vm15 =	veq.s32 v17, $0x1;
	v22, _, _ =	vpop (xrf2)  }
0x7b: {  	(xrf2) =	vadd.scan.msk.f32 $0xffff, v11;
	_, v51, vm4 =	vpop (xrf1)  }
0x7c: {  	vm10 =	veq.s32 v20, $0x1;
	v23, _, _ =	vpop (xrf2);
	(xrf2) =	vadd.scan.msk.f32 $0xffff, v9  }
0x7d: {  	v13 =	vsub.f32 v13, v19;
	[tilespmem:v7+s18+$0x0] =	vst.idx.add.f32.msk vm1, v19;
	_, v21, vm5 =	vpop (xrf1)  }
0x7e: {  	[tilespmem:v4+s18+$0x0] =	vst.idx.add.f32.msk vm0, v22;
	v14 =	vsub.f32 v14, v22;
	v52, _, _ =	vpop (xrf2)  }
0x7f: {  	[tilespmem:v7+s18+$0x0] =	vst.idx.add.f32.msk vm3, v13;
	vm6 =	veq.s32 v21, $0x1;
	v55, _, _ =	vpop (xrf2)  }
0x80: {  	[tilespmem:v4+s18+$0x0] =	vst.idx.add.f32.msk vm15, v14;
	vm14 =	veq.s32 v51, $0x1;
	v58 =	vsub.f32 v15, v23;
	v56, _, _ =	vpop (xrf2)  }
0x81: {  	[tilespmem:v5+s18+$0x0] =	vst.idx.add.f32.msk vm2, v23;
	_, v7, vm3 =	vpop (xrf1)  }
0x82: {  	[tilespmem:v5+s18+$0x0] =	vst.idx.add.f32.msk vm10, v58;
	_, v53, vm9 =	vpop (xrf1)  }
0x83: {  	v54 =	vsub.f32 v16, v52;
	[tilespmem:v2+s18+$0x0] =	vst.idx.add.f32.msk vm4, v56;
	vm12 =	veq.s32 v7, $0x1  }
0x84: {  	v63 =	vsub.f32 v12, v56;
	[tilespmem:v6+s18+$0x0] =	vst.idx.add.f32.msk vm5, v52;
	_, v57, vm11 =	vpop (xrf1)  }
0x85: {  	v59, _, _ =	vpop (xrf2);
	[tilespmem:v6+s18+$0x0] =	vst.idx.add.f32.msk vm6, v54;
	vm13 =	veq.s32 v53, $0x1  }
0x86: {  	[tilespmem:v2+s18+$0x0] =	vst.idx.add.f32.msk vm14, v63;
	v60, _, _ =	vpop (xrf2);
	vm15 =	veq.s32 v57, $0x1  }
0x87: {  	v61 =	vsub.f32 v9, v60;
	[tilespmem:v8+s18+$0x0] =	vst.idx.add.f32.msk vm3, v60  }
0x88: {  	[tilespmem:v3+s18+$0x0] =	vst.idx.add.f32.msk vm9, v55  }
0x89: {  	p1 =	sgt.u32 s21, $0x5;
	v62 =	vsub.f32 v10, v55;
	[tilespmem:v8+s18+$0x0] =	vst.idx.add.f32.msk vm12, v61  }
0x8a: {  	s25 =	sshll.u32 @!p1 s21, $0xA;
	v4 =	vsub.f32 v11, v59;
	[tilespmem:v1+s18+$0x0] =	vst.idx.add.f32.msk vm11, v59  }
0x8b: {  	s25 =	sadd.s32 @!p1 s25, s10;
	[tilespmem:v3+s18+$0x0] =	vst.idx.add.f32.msk vm13, v62  }
0x8c: {  	s26 =	sadd.s32 @!p1 $0x80, s24;
	s29 =	simm.s32 @!p1 $0x0;
	s28 =	sadd.s32 @!p1 s1, s25;
	[tilespmem:v1+s18+$0x0] =	vst.idx.add.f32.msk vm15, v4  }
0x8d: {  	[tilespmem:s26], [sflag:s22] =	stream.linear.gather @!p1 [hbm4b:s28+s29], $0x2000, $0x38;
	[tilespmem:$0xA080] =	vst v63  }
0x8e: {  	s21 =	sadd.s32 $0x1, s21;
	s22 =	sadd.s32 @!p1 $0x4080, s24;
	s24 =	sadd.s32 @!p1 s2, s25  }
0x8f: {  	[tilespmem:s22], [sflag:s23] =	stream.linear.gather @!p1 [hbm4b:s24+s29], $0x2000, $0x38;
	[tilespmem:$0xA080] =	vst v63  }
0x90: {  	p1 =	sne.s32 s21, $0x8  }
.Ltmp2:
0x91: {  	_ = 	snop;
	(pc) =	sbr.rel @p1 .LBB2_4-.Ltmp2, $2  }
0x92: {  	_ =	sdelay $0x2  }
0x93: {  	p0 =	por !p0, !p0  }
0x94: {  	s20 =	sadd.s32 $0x1, s20  }
0x95: {  	p0 =	sne.s32 s20, s12  }
.Ltmp3:
0x96: {  	_ = 	snop;
	(pc) =	sbr.rel @p0 .LBB2_1-.Ltmp3, $4  }
0x97: {  	[hbm4b:s11+s13] =	stream.strided.scatter [tilespmem:s18], [sflag:$0x5], $0x2000, s19, s13, $0x38;
	[tilespmem:$0xA080] =	vst v63  }
0x98: {  	_ =	swait.ge [sflag:s17], $0x2000  }
0x99: {  	[sflag:s17] =	ssyncset.done $0x0  }
0x9a: {  	[sflag:s17] =	ssyncadd.s32 $0xFFFFE000  }
0x9b: {  	_ =	sfence.sel $0x180000  }
0x9c: {  	[bflag:$0x0] =	sbarrier.arrive $0xFFFF  }
0x9d: {  	p0 =	sne.s32 s0, $0x0;
	_ =	strace $0x90000047  }
0x9e: {  	s0 =	sadd.s32 @!p0 $0x100000, s3;
	[bflag:$0x2] =	sbarrier.arrive $0xFFFF  }
0x9f: {  	[sflag:s0] =	ssyncadd.tile.s32 @!p0 $0x1;
	_ =	shalt  }
.Lfunc_end2:
_tile_overlayer_lowered:
.L_overlay_start_2:
0xa0: {  	(tag) =	ssettag $0x2  }
0xa1: {  	s0 =	rddreg [dreg:$0x0];
	s2 =	stileid.u32  }
0xa2: {  	s1 =	rddreg [dreg:$0x1];
	p0 =	sne.s32 s2, $0x0  }
0xa3: {  	s3 =	rddreg [dreg:$0x2];
	[bflag:$0x3] =	sbarrier.arrive $0xFFFF;
	s2 =	simm.s32 @!p0 $0x1C05  }
0xa4: {  	[timem:s3], [sflag:s2] =	dma.local @!p0 [hbm:s0], s1  }
0xa5: {  	s0 =	simm.s32 @!p0 $0x5  }
0xa6: {  	_ =	swait.ge @!p0 [sflag:s0], s1  }
0xa7: {  	s1 =	ssub.s32 @!p0 $0x0, s1;
	[sflag:s0] =	ssyncset.done @!p0 $0x0  }
0xa8: {  	[sflag:s0] =	ssyncadd.s32 @!p0 s1  }
0xa9: {  	[bflag:$0x3] =	sbarrier.arrive $0xFFFF  }
0xaa: {  	_ =	shalt  }

</sc_bundles>
